<compile_context>
chip_gen: v7x
topology: tpu7x:2x2x1
jax: 0.10.2.dev20260603
libtpu: 0.0.44.dev20260713+nightly
codegen_flags: <defaults>
</compile_context>

<pallas_src>
import functools

import jax
import jax.numpy as jnp
from jax import lax
from jax.experimental import pallas as pl
from jax.experimental.pallas import tpu as pltpu, tpu_sc as plsc

_SUB = 5
_K = 8
_ROWS = 512
_MPAD = 832
_NC = 2
_NS = 16
_NW = _NC * _NS


def _knn_body(x_ref, sqr_ref, sqc_ref, out_ref):
    x = x_ref[0]
    sq_row = sqr_ref[0]
    sq_col = sqc_ref[0]
    xr = x_ref[0, pl.ds(pl.program_id(1) * _ROWS, _ROWS), :]
    n = x.shape[0]
    cols = jax.lax.broadcasted_iota(jnp.int32, (_ROWS, n), 1)
    inf = jnp.float32(jnp.inf)
    g = jax.lax.dot_general(
        xr, x, (((1,), (1,)), ((), ())),
        preferred_element_type=jnp.float32)
    d2 = (sq_row + sq_col) - 2.0 * g
    work = jnp.maximum(d2, 0.0)
    rowg = pl.program_id(1) * _ROWS + jax.lax.broadcasted_iota(
        jnp.int32, (_ROWS, n), 0)
    diag = cols == rowg
    dval = jnp.sum(jnp.where(diag, work, 0.0), axis=1, keepdims=True)
    work = jnp.where(diag, inf, work)
    vals = [jnp.sqrt(dval)]
    for k in range(1, _K):
        m = jnp.min(work, axis=1, keepdims=True)
        vals.append(jnp.sqrt(m))
        if k < _K - 1:
            eq = work == m
            jmin = jnp.min(jnp.where(eq, cols, n), axis=1, keepdims=True)
            work = jnp.where(cols == jmin, inf, work)
    out_ref[0] = jnp.concatenate(vals, axis=1)


def _rank_inds_body(denr_ref, denc_ref, out_ref):
    den_col = denc_ref[0]
    n = den_col.shape[1]
    icol = jax.lax.broadcasted_iota(jnp.int32, (_ROWS, n), 1)
    rank = jnp.zeros((1, n), jnp.int32)
    for t in range(n // _ROWS):
        dj = denr_ref[0, t * _ROWS:(t + 1) * _ROWS, :]
        jrow = t * _ROWS + jax.lax.broadcasted_iota(jnp.int32, (_ROWS, n), 0)
        gt = (dj > den_col).astype(jnp.int32)
        eq = ((dj == den_col) & (jrow < icol)).astype(jnp.int32)
        rank = rank + jnp.sum(gt + eq, axis=0, keepdims=True)
    mrow = jax.lax.broadcasted_iota(jnp.int32, (_MPAD, n), 0)
    p = (mrow == rank).astype(jnp.float32)
    iota_col = jax.lax.broadcasted_iota(jnp.int32, (n, 1), 0).astype(jnp.float32)
    out_ref[0] = jnp.dot(p, iota_col, preferred_element_type=jnp.float32,
                         precision=jax.lax.Precision.HIGHEST)


def _make_sc_gather(v, d, b_total):
    b_per_w = b_total // _NW
    mesh = plsc.VectorSubcoreMesh(core_axis_name="c", subcore_axis_name="s")

    @functools.partial(
        pl.kernel, mesh=mesh,
        out_type=jax.ShapeDtypeStruct((b_total, d), jnp.float32),
        scratch_types=[
            pltpu.VMEM((b_per_w,), jnp.int32),
            pltpu.VMEM((b_per_w, d), jnp.float32),
            pltpu.SemaphoreType.DMA,
        ],
    )
    def gather_k(table_hbm, idx_hbm, out_hbm, idx_v, rows_v, sem):
        wid = lax.axis_index("s") * _NC + lax.axis_index("c")
        base = wid * b_per_w
        pltpu.sync_copy(idx_hbm.at[pl.ds(base, b_per_w)], idx_v)
        pltpu.async_copy(table_hbm.at[idx_v], rows_v, sem).wait()
        pltpu.sync_copy(rows_v, out_hbm.at[pl.ds(base, b_per_w)])

    return gather_k


def kernel(features, pos):
    B, N, C = features.shape
    M = N // _SUB
    sq = jnp.sum(features * features, axis=-1)
    knn = pl.pallas_call(
        _knn_body,
        grid=(B, N // _ROWS),
        in_specs=[
            pl.BlockSpec((1, N, C), lambda b, t: (b, 0, 0)),
            pl.BlockSpec((1, _ROWS, 1), lambda b, t: (b, t, 0)),
            pl.BlockSpec((1, 1, N), lambda b, t: (b, 0, 0)),
        ],
        out_specs=pl.BlockSpec((1, _ROWS, _K), lambda b, t: (b, t, 0)),
        out_shape=jax.ShapeDtypeStruct((B, N, _K), jnp.float32),
    )(features, sq.reshape(B, N, 1), sq.reshape(B, 1, N))
    knn = jax.lax.optimization_barrier(knn)
    density = jnp.mean(knn, axis=-1)
    density = jax.lax.optimization_barrier(density)
    inds_f = pl.pallas_call(
        _rank_inds_body,
        grid=(B,),
        in_specs=[
            pl.BlockSpec((1, N, 1), lambda b: (b, 0, 0)),
            pl.BlockSpec((1, 1, N), lambda b: (b, 0, 0)),
        ],
        out_specs=pl.BlockSpec((1, _MPAD, 1), lambda b: (b, 0, 0)),
        out_shape=jax.ShapeDtypeStruct((B, _MPAD, 1), jnp.float32),
    )(density.reshape(B, N, 1), density.reshape(B, 1, N))
    inds = inds_f.reshape(B, _MPAD).astype(jnp.int32)
    flat_idx = (inds + jnp.arange(B, dtype=jnp.int32)[:, None] * N).reshape(-1)
    fp = jnp.concatenate(
        [features, pos, jnp.zeros((B, N, 128 - C - 3), jnp.float32)],
        axis=-1).reshape(B * N, 128)
    out = _make_sc_gather(B * N, 128, B * _MPAD)(fp, flat_idx)
    out = out.reshape(B, _MPAD, 128)
    return out[:, :M, :C], out[:, :M, C:C + 3]

# --- scband reference (transcript-rebuilt; emitter-appended) ---
"""Pipeline reference for scband-encoder-65661460021577 (READ-ONLY COPY).

The authoritative reference and input builder live on the scoring server;
editing this copy changes nothing except your own understanding.
"""

import jax, jax.numpy as jnp
import numpy as np

SUBSAMPLE_FACTOR = 5
K = 8


def setup_inputs(seed: int = 0) -> dict:
    key = jax.random.key(seed)
    k1, k2 = jax.random.split(key)
    features = jax.random.normal(k1, (4, 4096, 60), dtype=jnp.float32)
    pos = jax.random.normal(k2, (4, 4096, 3), dtype=jnp.float32)
    return {"features": features, "pos": pos}


def _cdist(x):
    # torch.cdist(features, features, p=2) equivalent via gram trick
    sq = jnp.sum(x * x, axis=-1)
    d2 = sq[:, :, None] + sq[:, None, :] - 2.0 * jnp.einsum('bnc,bmc->bnm', x, x)
    return jnp.sqrt(jnp.maximum(d2, 0.0))


def density_based_sampler(features, subsample_factor, k=8):
    B, N, C = features.shape
    dists = _cdist(features)
    # k smallest distances per row (largest=False) via top_k on negated dists
    neg_knn, _ = jax.lax.top_k(-dists, k)
    knn_dists = -neg_knn
    density = jnp.mean(knn_dists, axis=-1)
    M = int(N // subsample_factor)
    _, sampled_inds = jax.lax.top_k(density, M)
    return sampled_inds


def reference(features, pos):
    # Encoder.run_dps: density-based point subsampling + gather
    B, N, C = features.shape
    sampled_inds = jax.lax.stop_gradient(
        density_based_sampler(features, SUBSAMPLE_FACTOR, K))  # (B, M) int32
    sampled_features = jnp.take_along_axis(
        features, sampled_inds[:, :, None], axis=1)  # (B, M, C)
    sampled_pos = jnp.take_along_axis(
        pos, sampled_inds[:, :, None], axis=1)  # (B, M, 3)
    return sampled_features, sampled_pos

if __name__ == "__main__":
    import jax
    _d = setup_inputs()
    print(jax.jit(kernel)(*tuple(_d.values())))

</pallas_src>

<mosaic_0001>
#map = affine_map<(d0, d1) -> (0, 0)>
#map1 = affine_map<(d0, d1) -> (0)>
module attributes {stable_mosaic.version = 14 : i64} {
  func.func @gather_k(%arg0: i32, %arg1: i32, %arg2: memref<16384x128xf32, #tpu.memory_space<hbm>>, %arg3: memref<3328xi32, #tpu.memory_space<hbm>>, %arg4: memref<3328x128xf32, #tpu.memory_space<hbm>>, %arg5: memref<104xi32, #tpu.memory_space<vmem>>, %arg6: memref<104x128xf32, #tpu.memory_space<vmem>>, %arg7: memref<!tpu.dma_semaphore, #tpu.memory_space<semaphore_mem>>) attributes {dimension_semantics = [#tpu.dimension_semantics<core_parallel>, #tpu.dimension_semantics<subcore_parallel>], iteration_bounds = array<i64: 2, 16>, scalar_prefetch = 0 : i64, scratch_operands = 3 : i64, tpu.core_type = #tpu.core_type<sc_vector_subcore>, window_params = [{transform_indices = #map}, {transform_indices = #map1}, {transform_indices = #map}]} {
    %mul3A = arith.constant 2 : i32
    %mul3A_0 = arith.muli %arg1, %mul3A : i32
    %add3A = arith.addi %mul3A_0, %arg0 : i32
    %mul3A_1 = arith.constant 104 : i32
    %mul3A_2 = arith.muli %add3A, %mul3A_1 : i32
    "tpu.region"() ({
      %run_scoped3A = tpu.sem_alloc : memref<!tpu.dma_semaphore, #tpu.memory_space<semaphore_mem>>
      %dma_start3A_7 = tpu.memref_slice %arg3[%mul3A_2] : memref<3328xi32, #tpu.memory_space<hbm>> -> memref<104xi32, #tpu.memory_space<hbm>>
      %dma_start3A_8 = tpu.memref_slice %arg3[%mul3A_2] : memref<3328xi32, #tpu.memory_space<hbm>> -> memref<104xi32, #tpu.memory_space<hbm>>
      tpu.enqueue_dma source(%dma_start3A_8 : memref<104xi32, #tpu.memory_space<hbm>>) target(%arg5 : memref<104xi32, #tpu.memory_space<vmem>>) target_semaphore(%run_scoped3A : memref<!tpu.dma_semaphore, #tpu.memory_space<semaphore_mem>>)
      %dma_wait3A_9 = tpu.memref_slice %arg3[%mul3A_2] : memref<3328xi32, #tpu.memory_space<hbm>> -> memref<104xi32, #tpu.memory_space<hbm>>
      %dma_wait3A_10 = tpu.memref_slice %arg3[%mul3A_2] : memref<3328xi32, #tpu.memory_space<hbm>> -> memref<104xi32, #tpu.memory_space<hbm>>
      tpu.wait_dma2 semaphore(%run_scoped3A : memref<!tpu.dma_semaphore, #tpu.memory_space<semaphore_mem>>) src(%dma_wait3A_10 : memref<104xi32, #tpu.memory_space<hbm>>) dst(%arg5 : memref<104xi32, #tpu.memory_space<vmem>>)
      tpu.yield
    }) : () -> ()
    %dma_start3A = arith.constant 0 : i32
    %dma_start3A_3 = arith.constant 0 : i32
    %dma_start3A_4 = tpu.memref_slice %arg2[%dma_start3A, %dma_start3A_3] : memref<16384x128xf32, #tpu.memory_space<hbm>> -> memref<16384x128xf32, #tpu.memory_space<hbm>>
    tpu.enqueue_indirect_dma source(%dma_start3A_4 : memref<16384x128xf32, #tpu.memory_space<hbm>>) target(%arg6 : memref<104x128xf32, #tpu.memory_space<vmem>>) offsets(%arg5 : memref<104xi32, #tpu.memory_space<vmem>>) semaphore(%arg7 : memref<!tpu.dma_semaphore, #tpu.memory_space<semaphore_mem>>)
    %dma_wait3A = arith.constant 0 : i32
    %dma_wait3A_5 = arith.constant 0 : i32
    %dma_wait3A_6 = tpu.memref_slice %arg2[%dma_wait3A, %dma_wait3A_5] : memref<16384x128xf32, #tpu.memory_space<hbm>> -> memref<16384x128xf32, #tpu.memory_space<hbm>>
    tpu.wait_indirect_dma semaphore(%arg7 : memref<!tpu.dma_semaphore, #tpu.memory_space<semaphore_mem>>) src(%dma_wait3A_6 : memref<16384x128xf32, #tpu.memory_space<hbm>>) dst(%arg6 : memref<104x128xf32, #tpu.memory_space<vmem>>)
    "tpu.region"() ({
      %run_scoped3A = tpu.sem_alloc : memref<!tpu.dma_semaphore, #tpu.memory_space<semaphore_mem>>
      %dma_start3A_7 = arith.constant 0 : i32
      %dma_start3A_8 = tpu.memref_slice %arg4[%mul3A_2, %dma_start3A_7] : memref<3328x128xf32, #tpu.memory_space<hbm>> -> memref<104x128xf32, #tpu.memory_space<hbm>>
      %dma_start3A_9 = arith.constant 0 : i32
      %dma_start3A_10 = tpu.memref_slice %arg4[%mul3A_2, %dma_start3A_9] : memref<3328x128xf32, #tpu.memory_space<hbm>> -> memref<104x128xf32, #tpu.memory_space<hbm>>
      tpu.enqueue_dma source(%arg6 : memref<104x128xf32, #tpu.memory_space<vmem>>) target(%dma_start3A_10 : memref<104x128xf32, #tpu.memory_space<hbm>>) target_semaphore(%run_scoped3A : memref<!tpu.dma_semaphore, #tpu.memory_space<semaphore_mem>>)
      %dma_wait3A_11 = arith.constant 0 : i32
      %dma_wait3A_12 = tpu.memref_slice %arg4[%mul3A_2, %dma_wait3A_11] : memref<3328x128xf32, #tpu.memory_space<hbm>> -> memref<104x128xf32, #tpu.memory_space<hbm>>
      %dma_wait3A_13 = arith.constant 0 : i32
      %dma_wait3A_14 = tpu.memref_slice %arg4[%mul3A_2, %dma_wait3A_13] : memref<3328x128xf32, #tpu.memory_space<hbm>> -> memref<104x128xf32, #tpu.memory_space<hbm>>
      tpu.wait_dma2 semaphore(%run_scoped3A : memref<!tpu.dma_semaphore, #tpu.memory_space<semaphore_mem>>) src(%arg6 : memref<104x128xf32, #tpu.memory_space<vmem>>) dst(%dma_wait3A_14 : memref<104x128xf32, #tpu.memory_space<hbm>>)
      tpu.yield
    }) : () -> ()
    return
  }
}

module attributes {stable_mosaic.version = 14 : i64} {
  func.func @_knn_body(%arg0: i32, %arg1: i32, %arg2: memref<1x4096x60xf32, #tpu.memory_space<vmem>>, %arg3: memref<1x512x1xf32, #tpu.memory_space<vmem>>, %arg4: memref<1x1x4096xf32, #tpu.memory_space<vmem>>, %arg5: memref<1x512x8xf32, #tpu.memory_space<vmem>>) attributes {dimension_semantics = [#tpu.dimension_semantics<arbitrary>, #tpu.dimension_semantics<arbitrary>], iteration_bounds = array<i64: 4, 8>, scalar_prefetch = 0 : i64, scratch_operands = 0 : i64, tpu.core_type = #tpu.core_type<tc>, window_params = [{transform_indices = @transform_0, window_bounds = array<i64: 1, 4096, 60>}, {transform_indices = @transform_1, window_bounds = array<i64: 1, 512, 1>}, {transform_indices = @transform_2, window_bounds = array<i64: 1, 1, 4096>}, {transform_indices = @transform_3, window_bounds = array<i64: 1, 512, 8>}]} {
    %get3A = arith.constant 0 : index
    %get3A_0 = arith.constant 0 : index
    %get3A_1 = arith.constant 0 : index
    %get3A_2 = vector.load %arg2[%get3A, %get3A_0, %get3A_1] : memref<1x4096x60xf32, #tpu.memory_space<vmem>>, vector<1x4096x60xf32>
    %get3A_3 = vector.shape_cast %get3A_2 : vector<1x4096x60xf32> to vector<4096x60xf32>
    %get3A_4 = arith.constant 0 : index
    %get3A_5 = arith.constant 0 : index
    %get3A_6 = arith.constant 0 : index
    %get3A_7 = vector.load %arg3[%get3A_4, %get3A_5, %get3A_6] : memref<1x512x1xf32, #tpu.memory_space<vmem>>, vector<1x512x1xf32>
    %get3A_8 = vector.shape_cast %get3A_7 : vector<1x512x1xf32> to vector<512x1xf32>
    %get3A_9 = arith.constant 0 : index
    %get3A_10 = arith.constant 0 : index
    %get3A_11 = arith.constant 0 : index
    %get3A_12 = vector.load %arg4[%get3A_9, %get3A_10, %get3A_11] : memref<1x1x4096xf32, #tpu.memory_space<vmem>>, vector<1x1x4096xf32>
    %get3A_13 = vector.shape_cast %get3A_12 : vector<1x1x4096xf32> to vector<1x4096xf32>
    %mul3A = arith.constant 512 : i32
    %mul3A_14 = arith.muli %arg1, %mul3A : i32
    %get3A_15 = arith.constant 0 : index
    %get3A_16 = arith.index_cast %mul3A_14 : i32 to index
    %get3A_17 = arith.constant 0 : index
    %get3A_18 = vector.load %arg2[%get3A_15, %get3A_16, %get3A_17] : memref<1x4096x60xf32, #tpu.memory_space<vmem>>, vector<1x512x60xf32>
    %get3A_19 = vector.shape_cast %get3A_18 : vector<1x512x60xf32> to vector<512x60xf32>
    %iota3A = tpu.iota {dimensions = array<i32: 1>} : vector<512x4096xi32>
    %dot_general3A = arith.constant dense<0.000000e+00> : vector<512x4096xf32>
    %dot_general3A_20 = tpu.matmul %get3A_19, %get3A_3, %dot_general3A {dimension_numbers = #tpu.dot_dimension_numbers<[1], [1], [0], [0], [0, 0, 1, 0], [], []>, transpose_lhs_hint = false} : vector<512x60xf32>, vector<4096x60xf32>, vector<512x4096xf32> -> vector<512x4096xf32>
    %add3A = vector.broadcast %get3A_8 : vector<512x1xf32> to vector<512x4096xf32>
    %add3A_21 = vector.broadcast %get3A_13 : vector<1x4096xf32> to vector<512x4096xf32>
    %add3A_22 = arith.addf %add3A, %add3A_21 : vector<512x4096xf32>
    %mul3A_23 = arith.constant 2.000000e+00 : f32
    %mul3A_24 = vector.broadcast %mul3A_23 : f32 to vector<512x4096xf32>
    %mul3A_25 = arith.mulf %mul3A_24, %dot_general3A_20 : vector<512x4096xf32>
    %sub3A = arith.subf %add3A_22, %mul3A_25 : vector<512x4096xf32>
    %max3A = arith.constant 0.000000e+00 : f32
    %max3A_26 = vector.broadcast %max3A : f32 to vector<512x4096xf32>
    %max3A_27 = arith.maximumf %sub3A, %max3A_26 : vector<512x4096xf32>
    %mul3A_28 = arith.constant 512 : i32
    %mul3A_29 = arith.muli %arg1, %mul3A_28 : i32
    %iota3A_30 = tpu.iota {dimensions = array<i32: 0>} : vector<512x4096xi32>
    %add3A_31 = vector.broadcast %mul3A_29 : i32 to vector<512x4096xi32>
    %add3A_32 = arith.addi %add3A_31, %iota3A_30 : vector<512x4096xi32>
    %eq3A = arith.cmpi eq, %iota3A, %add3A_32 : vector<512x4096xi32>
    %jit3A = arith.constant 0.000000e+00 : f32
    %broadcast_in_dim3A = vector.broadcast %jit3A : f32 to vector<512x4096xf32>
    %select_n3A = arith.select %eq3A, %max3A_27, %broadcast_in_dim3A : vector<512x4096xi1>, vector<512x4096xf32>
    %reduce_sum3A = arith.constant dense<0.000000e+00> : vector<512xf32>
    %reduce_sum3A_33 = vector.multi_reduction <add>, %select_n3A, %reduce_sum3A [1] : vector<512x4096xf32> to vector<512xf32>
    %broadcast_in_dim3A_34 = vector.shape_cast %reduce_sum3A_33 : vector<512xf32> to vector<512x1xf32>
    %jit3A_35 = arith.constant 0x7F800000 : f32
    %broadcast_in_dim3A_36 = vector.broadcast %jit3A_35 : f32 to vector<512x4096xf32>
    %select_n3A_37 = arith.select %eq3A, %broadcast_in_dim3A_36, %max3A_27 : vector<512x4096xi1>, vector<512x4096xf32>
    %sqrt3A = math.sqrt %broadcast_in_dim3A_34 : vector<512x1xf32>
    %reduce_min3A = arith.constant dense<0x7F800000> : vector<512xf32>
    %reduce_min3A_38 = vector.multi_reduction <minimumf>, %select_n3A_37, %reduce_min3A [1] : vector<512x4096xf32> to vector<512xf32>
    %broadcast_in_dim3A_39 = vector.shape_cast %reduce_min3A_38 : vector<512xf32> to vector<512x1xf32>
    %sqrt3A_40 = math.sqrt %broadcast_in_dim3A_39 : vector<512x1xf32>
    %eq3A_41 = vector.broadcast %broadcast_in_dim3A_39 : vector<512x1xf32> to vector<512x4096xf32>
    %eq3A_42 = arith.cmpf oeq, %select_n3A_37, %eq3A_41 : vector<512x4096xf32>
    %jit3A_43 = arith.constant 4096 : i32
    %broadcast_in_dim3A_44 = vector.broadcast %jit3A_43 : i32 to vector<512x4096xi32>
    %select_n3A_45 = arith.select %eq3A_42, %iota3A, %broadcast_in_dim3A_44 : vector<512x4096xi1>, vector<512x4096xi32>
    %reduce_min3A_46 = arith.constant dense<2147483647> : vector<512xi32>
    %reduce_min3A_47 = vector.multi_reduction <minsi>, %select_n3A_45, %reduce_min3A_46 [1] : vector<512x4096xi32> to vector<512xi32>
    %broadcast_in_dim3A_48 = vector.shape_cast %reduce_min3A_47 : vector<512xi32> to vector<512x1xi32>
    %eq3A_49 = vector.broadcast %broadcast_in_dim3A_48 : vector<512x1xi32> to vector<512x4096xi32>
    %eq3A_50 = arith.cmpi eq, %iota3A, %eq3A_49 : vector<512x4096xi32>
    %jit3A_51 = arith.constant 0x7F800000 : f32
    %broadcast_in_dim3A_52 = vector.broadcast %jit3A_51 : f32 to vector<512x4096xf32>
    %select_n3A_53 = arith.select %eq3A_50, %broadcast_in_dim3A_52, %select_n3A_37 : vector<512x4096xi1>, vector<512x4096xf32>
    %reduce_min3A_54 = arith.constant dense<0x7F800000> : vector<512xf32>
    %reduce_min3A_55 = vector.multi_reduction <minimumf>, %select_n3A_53, %reduce_min3A_54 [1] : vector<512x4096xf32> to vector<512xf32>
    %broadcast_in_dim3A_56 = vector.shape_cast %reduce_min3A_55 : vector<512xf32> to vector<512x1xf32>
    %sqrt3A_57 = math.sqrt %broadcast_in_dim3A_56 : vector<512x1xf32>
    %eq3A_58 = vector.broadcast %broadcast_in_dim3A_56 : vector<512x1xf32> to vector<512x4096xf32>
    %eq3A_59 = arith.cmpf oeq, %select_n3A_53, %eq3A_58 : vector<512x4096xf32>
    %jit3A_60 = arith.constant 4096 : i32
    %broadcast_in_dim3A_61 = vector.broadcast %jit3A_60 : i32 to vector<512x4096xi32>
    %select_n3A_62 = arith.select %eq3A_59, %iota3A, %broadcast_in_dim3A_61 : vector<512x4096xi1>, vector<512x4096xi32>
    %reduce_min3A_63 = arith.constant dense<2147483647> : vector<512xi32>
    %reduce_min3A_64 = vector.multi_reduction <minsi>, %select_n3A_62, %reduce_min3A_63 [1] : vector<512x4096xi32> to vector<512xi32>
    %broadcast_in_dim3A_65 = vector.shape_cast %reduce_min3A_64 : vector<512xi32> to vector<512x1xi32>
    %eq3A_66 = vector.broadcast %broadcast_in_dim3A_65 : vector<512x1xi32> to vector<512x4096xi32>
    %eq3A_67 = arith.cmpi eq, %iota3A, %eq3A_66 : vector<512x4096xi32>
    %jit3A_68 = arith.constant 0x7F800000 : f32
    %broadcast_in_dim3A_69 = vector.broadcast %jit3A_68 : f32 to vector<512x4096xf32>
    %select_n3A_70 = arith.select %eq3A_67, %broadcast_in_dim3A_69, %select_n3A_53 : vector<512x4096xi1>, vector<512x4096xf32>
    %reduce_min3A_71 = arith.constant dense<0x7F800000> : vector<512xf32>
    %reduce_min3A_72 = vector.multi_reduction <minimumf>, %select_n3A_70, %reduce_min3A_71 [1] : vector<512x4096xf32> to vector<512xf32>
    %broadcast_in_dim3A_73 = vector.shape_cast %reduce_min3A_72 : vector<512xf32> to vector<512x1xf32>
    %sqrt3A_74 = math.sqrt %broadcast_in_dim3A_73 : vector<512x1xf32>
    %eq3A_75 = vector.broadcast %broadcast_in_dim3A_73 : vector<512x1xf32> to vector<512x4096xf32>
    %eq3A_76 = arith.cmpf oeq, %select_n3A_70, %eq3A_75 : vector<512x4096xf32>
    %jit3A_77 = arith.constant 4096 : i32
    %broadcast_in_dim3A_78 = vector.broadcast %jit3A_77 : i32 to vector<512x4096xi32>
    %select_n3A_79 = arith.select %eq3A_76, %iota3A, %broadcast_in_dim3A_78 : vector<512x4096xi1>, vector<512x4096xi32>
    %reduce_min3A_80 = arith.constant dense<2147483647> : vector<512xi32>
    %reduce_min3A_81 = vector.multi_reduction <minsi>, %select_n3A_79, %reduce_min3A_80 [1] : vector<512x4096xi32> to vector<512xi32>
    %broadcast_in_dim3A_82 = vector.shape_cast %reduce_min3A_81 : vector<512xi32> to vector<512x1xi32>
    %eq3A_83 = vector.broadcast %broadcast_in_dim3A_82 : vector<512x1xi32> to vector<512x4096xi32>
    %eq3A_84 = arith.cmpi eq, %iota3A, %eq3A_83 : vector<512x4096xi32>
    %jit3A_85 = arith.constant 0x7F800000 : f32
    %broadcast_in_dim3A_86 = vector.broadcast %jit3A_85 : f32 to vector<512x4096xf32>
    %select_n3A_87 = arith.select %eq3A_84, %broadcast_in_dim3A_86, %select_n3A_70 : vector<512x4096xi1>, vector<512x4096xf32>
    %reduce_min3A_88 = arith.constant dense<0x7F800000> : vector<512xf32>
    %reduce_min3A_89 = vector.multi_reduction <minimumf>, %select_n3A_87, %reduce_min3A_88 [1] : vector<512x4096xf32> to vector<512xf32>
    %broadcast_in_dim3A_90 = vector.shape_cast %reduce_min3A_89 : vector<512xf32> to vector<512x1xf32>
    %sqrt3A_91 = math.sqrt %broadcast_in_dim3A_90 : vector<512x1xf32>
    %eq3A_92 = vector.broadcast %broadcast_in_dim3A_90 : vector<512x1xf32> to vector<512x4096xf32>
    %eq3A_93 = arith.cmpf oeq, %select_n3A_87, %eq3A_92 : vector<512x4096xf32>
    %jit3A_94 = arith.constant 4096 : i32
    %broadcast_in_dim3A_95 = vector.broadcast %jit3A_94 : i32 to vector<512x4096xi32>
    %select_n3A_96 = arith.select %eq3A_93, %iota3A, %broadcast_in_dim3A_95 : vector<512x4096xi1>, vector<512x4096xi32>
    %reduce_min3A_97 = arith.constant dense<2147483647> : vector<512xi32>
    %reduce_min3A_98 = vector.multi_reduction <minsi>, %select_n3A_96, %reduce_min3A_97 [1] : vector<512x4096xi32> to vector<512xi32>
    %broadcast_in_dim3A_99 = vector.shape_cast %reduce_min3A_98 : vector<512xi32> to vector<512x1xi32>
    %eq3A_100 = vector.broadcast %broadcast_in_dim3A_99 : vector<512x1xi32> to vector<512x4096xi32>
    %eq3A_101 = arith.cmpi eq, %iota3A, %eq3A_100 : vector<512x4096xi32>
    %jit3A_102 = arith.constant 0x7F800000 : f32
    %broadcast_in_dim3A_103 = vector.broadcast %jit3A_102 : f32 to vector<512x4096xf32>
    %select_n3A_104 = arith.select %eq3A_101, %broadcast_in_dim3A_103, %select_n3A_87 : vector<512x4096xi1>, vector<512x4096xf32>
    %reduce_min3A_105 = arith.constant dense<0x7F800000> : vector<512xf32>
    %reduce_min3A_106 = vector.multi_reduction <minimumf>, %select_n3A_104, %reduce_min3A_105 [1] : vector<512x4096xf32> to vector<512xf32>
    %broadcast_in_dim3A_107 = vector.shape_cast %reduce_min3A_106 : vector<512xf32> to vector<512x1xf32>
    %sqrt3A_108 = math.sqrt %broadcast_in_dim3A_107 : vector<512x1xf32>
    %eq3A_109 = vector.broadcast %broadcast_in_dim3A_107 : vector<512x1xf32> to vector<512x4096xf32>
    %eq3A_110 = arith.cmpf oeq, %select_n3A_104, %eq3A_109 : vector<512x4096xf32>
    %jit3A_111 = arith.constant 4096 : i32
    %broadcast_in_dim3A_112 = vector.broadcast %jit3A_111 : i32 to vector<512x4096xi32>
    %select_n3A_113 = arith.select %eq3A_110, %iota3A, %broadcast_in_dim3A_112 : vector<512x4096xi1>, vector<512x4096xi32>
    %reduce_min3A_114 = arith.constant dense<2147483647> : vector<512xi32>
    %reduce_min3A_115 = vector.multi_reduction <minsi>, %select_n3A_113, %reduce_min3A_114 [1] : vector<512x4096xi32> to vector<512xi32>
    %broadcast_in_dim3A_116 = vector.shape_cast %reduce_min3A_115 : vector<512xi32> to vector<512x1xi32>
    %eq3A_117 = vector.broadcast %broadcast_in_dim3A_116 : vector<512x1xi32> to vector<512x4096xi32>
    %eq3A_118 = arith.cmpi eq, %iota3A, %eq3A_117 : vector<512x4096xi32>
    %jit3A_119 = arith.constant 0x7F800000 : f32
    %broadcast_in_dim3A_120 = vector.broadcast %jit3A_119 : f32 to vector<512x4096xf32>
    %select_n3A_121 = arith.select %eq3A_118, %broadcast_in_dim3A_120, %select_n3A_104 : vector<512x4096xi1>, vector<512x4096xf32>
    %reduce_min3A_122 = arith.constant dense<0x7F800000> : vector<512xf32>
    %reduce_min3A_123 = vector.multi_reduction <minimumf>, %select_n3A_121, %reduce_min3A_122 [1] : vector<512x4096xf32> to vector<512xf32>
    %broadcast_in_dim3A_124 = vector.shape_cast %reduce_min3A_123 : vector<512xf32> to vector<512x1xf32>
    %sqrt3A_125 = math.sqrt %broadcast_in_dim3A_124 : vector<512x1xf32>
    %eq3A_126 = vector.broadcast %broadcast_in_dim3A_124 : vector<512x1xf32> to vector<512x4096xf32>
    %eq3A_127 = arith.cmpf oeq, %select_n3A_121, %eq3A_126 : vector<512x4096xf32>
    %jit3A_128 = arith.constant 4096 : i32
    %broadcast_in_dim3A_129 = vector.broadcast %jit3A_128 : i32 to vector<512x4096xi32>
    %select_n3A_130 = arith.select %eq3A_127, %iota3A, %broadcast_in_dim3A_129 : vector<512x4096xi1>, vector<512x4096xi32>
    %reduce_min3A_131 = arith.constant dense<2147483647> : vector<512xi32>
    %reduce_min3A_132 = vector.multi_reduction <minsi>, %select_n3A_130, %reduce_min3A_131 [1] : vector<512x4096xi32> to vector<512xi32>
    %broadcast_in_dim3A_133 = vector.shape_cast %reduce_min3A_132 : vector<512xi32> to vector<512x1xi32>
    %eq3A_134 = vector.broadcast %broadcast_in_dim3A_133 : vector<512x1xi32> to vector<512x4096xi32>
    %eq3A_135 = arith.cmpi eq, %iota3A, %eq3A_134 : vector<512x4096xi32>
    %jit3A_136 = arith.constant 0x7F800000 : f32
    %broadcast_in_dim3A_137 = vector.broadcast %jit3A_136 : f32 to vector<512x4096xf32>
    %select_n3A_138 = arith.select %eq3A_135, %broadcast_in_dim3A_137, %select_n3A_121 : vector<512x4096xi1>, vector<512x4096xf32>
    %reduce_min3A_139 = arith.constant dense<0x7F800000> : vector<512xf32>
    %reduce_min3A_140 = vector.multi_reduction <minimumf>, %select_n3A_138, %reduce_min3A_139 [1] : vector<512x4096xf32> to vector<512xf32>
    %broadcast_in_dim3A_141 = vector.shape_cast %reduce_min3A_140 : vector<512xf32> to vector<512x1xf32>
    %sqrt3A_142 = math.sqrt %broadcast_in_dim3A_141 : vector<512x1xf32>
    %concatenate3A = tpu.concatenate %sqrt3A, %sqrt3A_40, %sqrt3A_57, %sqrt3A_74, %sqrt3A_91, %sqrt3A_108, %sqrt3A_125, %sqrt3A_142 in 1 : vector<512x1xf32>, vector<512x1xf32>, vector<512x1xf32>, vector<512x1xf32>, vector<512x1xf32>, vector<512x1xf32>, vector<512x1xf32>, vector<512x1xf32> -> vector<512x8xf32>
    %swap3A = arith.constant 0 : index
    %swap3A_143 = arith.constant 0 : index
    %swap3A_144 = arith.constant 0 : index
    %swap3A_145 = vector.load %arg5[%swap3A, %swap3A_143, %swap3A_144] : memref<1x512x8xf32, #tpu.memory_space<vmem>>, vector<1x512x8xf32>
    %swap3A_146 = vector.shape_cast %swap3A_145 : vector<1x512x8xf32> to vector<512x8xf32>
    %swap3A_147 = vector.shape_cast %concatenate3A : vector<512x8xf32> to vector<1x512x8xf32>
    tpu.vector_store %arg5[%swap3A, %swap3A_143, %swap3A_144], %swap3A_147 {strides = array<i32>} : memref<1x512x8xf32, #tpu.memory_space<vmem>>, vector<1x512x8xf32>,
    return
  }
  func.func @transform_0(%arg0: i32, %arg1: i32) -> (i32, i32, i32) {
    %c0_i32 = arith.constant 0 : i32
    %c0_i32_0 = arith.constant 0 : i32
    %c0_i32_1 = arith.constant 0 : i32
    return %arg0, %c0_i32, %c0_i32_0 : i32, i32, i32
  }
  func.func @transform_1(%arg0: i32, %arg1: i32) -> (i32, i32, i32) {
    %c0_i32 = arith.constant 0 : i32
    %c0_i32_0 = arith.constant 0 : i32
    return %arg0, %arg1, %c0_i32 : i32, i32, i32
  }
  func.func @transform_2(%arg0: i32, %arg1: i32) -> (i32, i32, i32) {
    %c0_i32 = arith.constant 0 : i32
    %c0_i32_0 = arith.constant 0 : i32
    %c0_i32_1 = arith.constant 0 : i32
    return %arg0, %c0_i32, %c0_i32_0 : i32, i32, i32
  }
  func.func @transform_3(%arg0: i32, %arg1: i32) -> (i32, i32, i32) {
    %c0_i32 = arith.constant 0 : i32
    %c0_i32_0 = arith.constant 0 : i32
    return %arg0, %arg1, %c0_i32 : i32, i32, i32
  }
}

module attributes {stable_mosaic.version = 14 : i64} {
  func.func @_rank_inds_body(%arg0: i32, %arg1: memref<1x4096x1xf32, #tpu.memory_space<vmem>>, %arg2: memref<1x1x4096xf32, #tpu.memory_space<vmem>>, %arg3: memref<1x832x1xf32, #tpu.memory_space<vmem>>) attributes {dimension_semantics = [#tpu.dimension_semantics<arbitrary>], iteration_bounds = array<i64: 4>, scalar_prefetch = 0 : i64, scratch_operands = 0 : i64, tpu.core_type = #tpu.core_type<tc>, window_params = [{transform_indices = @transform_0, window_bounds = array<i64: 1, 4096, 1>}, {transform_indices = @transform_1, window_bounds = array<i64: 1, 1, 4096>}, {transform_indices = @transform_2, window_bounds = array<i64: 1, 832, 1>}]} {
    %get3A = arith.constant 0 : index
    %get3A_0 = arith.constant 0 : index
    %get3A_1 = arith.constant 0 : index
    %get3A_2 = vector.load %arg2[%get3A, %get3A_0, %get3A_1] : memref<1x1x4096xf32, #tpu.memory_space<vmem>>, vector<1x1x4096xf32>
    %get3A_3 = vector.shape_cast %get3A_2 : vector<1x1x4096xf32> to vector<1x4096xf32>
    %iota3A = tpu.iota {dimensions = array<i32: 1>} : vector<512x4096xi32>
    %broadcast_in_dim3A = arith.constant 0 : i32
    %broadcast_in_dim3A_4 = vector.broadcast %broadcast_in_dim3A : i32 to vector<1x4096xi32>
    %get3A_5 = arith.constant 0 : index
    %get3A_6 = arith.constant 0 : index
    %get3A_7 = arith.constant 0 : index
    %get3A_8 = vector.load %arg1[%get3A_5, %get3A_6, %get3A_7] : memref<1x4096x1xf32, #tpu.memory_space<vmem>>, vector<1x512x1xf32>
    %get3A_9 = vector.shape_cast %get3A_8 : vector<1x512x1xf32> to vector<512x1xf32>
    %iota3A_10 = tpu.iota {dimensions = array<i32: 0>} : vector<512x4096xi32>
    %add3A = arith.constant 0 : i32
    %add3A_11 = vector.broadcast %add3A : i32 to vector<512x4096xi32>
    %add3A_12 = arith.addi %add3A_11, %iota3A_10 : vector<512x4096xi32>
    %gt3A = vector.broadcast %get3A_9 : vector<512x1xf32> to vector<512x4096xf32>
    %gt3A_13 = vector.broadcast %get3A_3 : vector<1x4096xf32> to vector<512x4096xf32>
    %gt3A_14 = arith.cmpf ogt, %gt3A, %gt3A_13 : vector<512x4096xf32>
    %convert_element_type3A = arith.extui %gt3A_14 : vector<512x4096xi1> to vector<512x4096xi32>
    %eq3A = vector.broadcast %get3A_9 : vector<512x1xf32> to vector<512x4096xf32>
    %eq3A_15 = vector.broadcast %get3A_3 : vector<1x4096xf32> to vector<512x4096xf32>
    %eq3A_16 = arith.cmpf oeq, %eq3A, %eq3A_15 : vector<512x4096xf32>
    %lt3A = arith.cmpi slt, %add3A_12, %iota3A : vector<512x4096xi32>
    %and3A = arith.andi %eq3A_16, %lt3A : vector<512x4096xi1>
    %convert_element_type3A_17 = arith.extui %and3A : vector<512x4096xi1> to vector<512x4096xi32>
    %add3A_18 = arith.addi %convert_element_type3A, %convert_element_type3A_17 : vector<512x4096xi32>
    %reduce_sum3A = arith.constant dense<0> : vector<4096xi32>
    %reduce_sum3A_19 = vector.multi_reduction <add>, %add3A_18, %reduce_sum3A [0] : vector<512x4096xi32> to vector<4096xi32>
    %broadcast_in_dim3A_20 = vector.shape_cast %reduce_sum3A_19 : vector<4096xi32> to vector<1x4096xi32>
    %add3A_21 = arith.addi %broadcast_in_dim3A_4, %broadcast_in_dim3A_20 : vector<1x4096xi32>
    %get3A_22 = arith.constant 0 : index
    %get3A_23 = arith.constant 512 : index
    %get3A_24 = arith.constant 0 : index
    %get3A_25 = vector.load %arg1[%get3A_22, %get3A_23, %get3A_24] : memref<1x4096x1xf32, #tpu.memory_space<vmem>>, vector<1x512x1xf32>
    %get3A_26 = vector.shape_cast %get3A_25 : vector<1x512x1xf32> to vector<512x1xf32>
    %iota3A_27 = tpu.iota {dimensions = array<i32: 0>} : vector<512x4096xi32>
    %add3A_28 = arith.constant 512 : i32
    %add3A_29 = vector.broadcast %add3A_28 : i32 to vector<512x4096xi32>
    %add3A_30 = arith.addi %add3A_29, %iota3A_27 : vector<512x4096xi32>
    %gt3A_31 = vector.broadcast %get3A_26 : vector<512x1xf32> to vector<512x4096xf32>
    %gt3A_32 = vector.broadcast %get3A_3 : vector<1x4096xf32> to vector<512x4096xf32>
    %gt3A_33 = arith.cmpf ogt, %gt3A_31, %gt3A_32 : vector<512x4096xf32>
    %convert_element_type3A_34 = arith.extui %gt3A_33 : vector<512x4096xi1> to vector<512x4096xi32>
    %eq3A_35 = vector.broadcast %get3A_26 : vector<512x1xf32> to vector<512x4096xf32>
    %eq3A_36 = vector.broadcast %get3A_3 : vector<1x4096xf32> to vector<512x4096xf32>
    %eq3A_37 = arith.cmpf oeq, %eq3A_35, %eq3A_36 : vector<512x4096xf32>
    %lt3A_38 = arith.cmpi slt, %add3A_30, %iota3A : vector<512x4096xi32>
    %and3A_39 = arith.andi %eq3A_37, %lt3A_38 : vector<512x4096xi1>
    %convert_element_type3A_40 = arith.extui %and3A_39 : vector<512x4096xi1> to vector<512x4096xi32>
    %add3A_41 = arith.addi %convert_element_type3A_34, %convert_element_type3A_40 : vector<512x4096xi32>
    %reduce_sum3A_42 = arith.constant dense<0> : vector<4096xi32>
    %reduce_sum3A_43 = vector.multi_reduction <add>, %add3A_41, %reduce_sum3A_42 [0] : vector<512x4096xi32> to vector<4096xi32>
    %broadcast_in_dim3A_44 = vector.shape_cast %reduce_sum3A_43 : vector<4096xi32> to vector<1x4096xi32>
    %add3A_45 = arith.addi %add3A_21, %broadcast_in_dim3A_44 : vector<1x4096xi32>
    %get3A_46 = arith.constant 0 : index
    %get3A_47 = arith.constant 1024 : index
    %get3A_48 = arith.constant 0 : index
    %get3A_49 = vector.load %arg1[%get3A_46, %get3A_47, %get3A_48] : memref<1x4096x1xf32, #tpu.memory_space<vmem>>, vector<1x512x1xf32>
    %get3A_50 = vector.shape_cast %get3A_49 : vector<1x512x1xf32> to vector<512x1xf32>
    %iota3A_51 = tpu.iota {dimensions = array<i32: 0>} : vector<512x4096xi32>
    %add3A_52 = arith.constant 1024 : i32
    %add3A_53 = vector.broadcast %add3A_52 : i32 to vector<512x4096xi32>
    %add3A_54 = arith.addi %add3A_53, %iota3A_51 : vector<512x4096xi32>
    %gt3A_55 = vector.broadcast %get3A_50 : vector<512x1xf32> to vector<512x4096xf32>
    %gt3A_56 = vector.broadcast %get3A_3 : vector<1x4096xf32> to vector<512x4096xf32>
    %gt3A_57 = arith.cmpf ogt, %gt3A_55, %gt3A_56 : vector<512x4096xf32>
    %convert_element_type3A_58 = arith.extui %gt3A_57 : vector<512x4096xi1> to vector<512x4096xi32>
    %eq3A_59 = vector.broadcast %get3A_50 : vector<512x1xf32> to vector<512x4096xf32>
    %eq3A_60 = vector.broadcast %get3A_3 : vector<1x4096xf32> to vector<512x4096xf32>
    %eq3A_61 = arith.cmpf oeq, %eq3A_59, %eq3A_60 : vector<512x4096xf32>
    %lt3A_62 = arith.cmpi slt, %add3A_54, %iota3A : vector<512x4096xi32>
    %and3A_63 = arith.andi %eq3A_61, %lt3A_62 : vector<512x4096xi1>
    %convert_element_type3A_64 = arith.extui %and3A_63 : vector<512x4096xi1> to vector<512x4096xi32>
    %add3A_65 = arith.addi %convert_element_type3A_58, %convert_element_type3A_64 : vector<512x4096xi32>
    %reduce_sum3A_66 = arith.constant dense<0> : vector<4096xi32>
    %reduce_sum3A_67 = vector.multi_reduction <add>, %add3A_65, %reduce_sum3A_66 [0] : vector<512x4096xi32> to vector<4096xi32>
    %broadcast_in_dim3A_68 = vector.shape_cast %reduce_sum3A_67 : vector<4096xi32> to vector<1x4096xi32>
    %add3A_69 = arith.addi %add3A_45, %broadcast_in_dim3A_68 : vector<1x4096xi32>
    %get3A_70 = arith.constant 0 : index
    %get3A_71 = arith.constant 1536 : index
    %get3A_72 = arith.constant 0 : index
    %get3A_73 = vector.load %arg1[%get3A_70, %get3A_71, %get3A_72] : memref<1x4096x1xf32, #tpu.memory_space<vmem>>, vector<1x512x1xf32>
    %get3A_74 = vector.shape_cast %get3A_73 : vector<1x512x1xf32> to vector<512x1xf32>
    %iota3A_75 = tpu.iota {dimensions = array<i32: 0>} : vector<512x4096xi32>
    %add3A_76 = arith.constant 1536 : i32
    %add3A_77 = vector.broadcast %add3A_76 : i32 to vector<512x4096xi32>
    %add3A_78 = arith.addi %add3A_77, %iota3A_75 : vector<512x4096xi32>
    %gt3A_79 = vector.broadcast %get3A_74 : vector<512x1xf32> to vector<512x4096xf32>
    %gt3A_80 = vector.broadcast %get3A_3 : vector<1x4096xf32> to vector<512x4096xf32>
    %gt3A_81 = arith.cmpf ogt, %gt3A_79, %gt3A_80 : vector<512x4096xf32>
    %convert_element_type3A_82 = arith.extui %gt3A_81 : vector<512x4096xi1> to vector<512x4096xi32>
    %eq3A_83 = vector.broadcast %get3A_74 : vector<512x1xf32> to vector<512x4096xf32>
    %eq3A_84 = vector.broadcast %get3A_3 : vector<1x4096xf32> to vector<512x4096xf32>
    %eq3A_85 = arith.cmpf oeq, %eq3A_83, %eq3A_84 : vector<512x4096xf32>
    %lt3A_86 = arith.cmpi slt, %add3A_78, %iota3A : vector<512x4096xi32>
    %and3A_87 = arith.andi %eq3A_85, %lt3A_86 : vector<512x4096xi1>
    %convert_element_type3A_88 = arith.extui %and3A_87 : vector<512x4096xi1> to vector<512x4096xi32>
    %add3A_89 = arith.addi %convert_element_type3A_82, %convert_element_type3A_88 : vector<512x4096xi32>
    %reduce_sum3A_90 = arith.constant dense<0> : vector<4096xi32>
    %reduce_sum3A_91 = vector.multi_reduction <add>, %add3A_89, %reduce_sum3A_90 [0] : vector<512x4096xi32> to vector<4096xi32>
    %broadcast_in_dim3A_92 = vector.shape_cast %reduce_sum3A_91 : vector<4096xi32> to vector<1x4096xi32>
    %add3A_93 = arith.addi %add3A_69, %broadcast_in_dim3A_92 : vector<1x4096xi32>
    %get3A_94 = arith.constant 0 : index
    %get3A_95 = arith.constant 2048 : index
    %get3A_96 = arith.constant 0 : index
    %get3A_97 = vector.load %arg1[%get3A_94, %get3A_95, %get3A_96] : memref<1x4096x1xf32, #tpu.memory_space<vmem>>, vector<1x512x1xf32>
    %get3A_98 = vector.shape_cast %get3A_97 : vector<1x512x1xf32> to vector<512x1xf32>
    %iota3A_99 = tpu.iota {dimensions = array<i32: 0>} : vector<512x4096xi32>
    %add3A_100 = arith.constant 2048 : i32
    %add3A_101 = vector.broadcast %add3A_100 : i32 to vector<512x4096xi32>
    %add3A_102 = arith.addi %add3A_101, %iota3A_99 : vector<512x4096xi32>
    %gt3A_103 = vector.broadcast %get3A_98 : vector<512x1xf32> to vector<512x4096xf32>
    %gt3A_104 = vector.broadcast %get3A_3 : vector<1x4096xf32> to vector<512x4096xf32>
    %gt3A_105 = arith.cmpf ogt, %gt3A_103, %gt3A_104 : vector<512x4096xf32>
    %convert_element_type3A_106 = arith.extui %gt3A_105 : vector<512x4096xi1> to vector<512x4096xi32>
    %eq3A_107 = vector.broadcast %get3A_98 : vector<512x1xf32> to vector<512x4096xf32>
    %eq3A_108 = vector.broadcast %get3A_3 : vector<1x4096xf32> to vector<512x4096xf32>
    %eq3A_109 = arith.cmpf oeq, %eq3A_107, %eq3A_108 : vector<512x4096xf32>
    %lt3A_110 = arith.cmpi slt, %add3A_102, %iota3A : vector<512x4096xi32>
    %and3A_111 = arith.andi %eq3A_109, %lt3A_110 : vector<512x4096xi1>
    %convert_element_type3A_112 = arith.extui %and3A_111 : vector<512x4096xi1> to vector<512x4096xi32>
    %add3A_113 = arith.addi %convert_element_type3A_106, %convert_element_type3A_112 : vector<512x4096xi32>
    %reduce_sum3A_114 = arith.constant dense<0> : vector<4096xi32>
    %reduce_sum3A_115 = vector.multi_reduction <add>, %add3A_113, %reduce_sum3A_114 [0] : vector<512x4096xi32> to vector<4096xi32>
    %broadcast_in_dim3A_116 = vector.shape_cast %reduce_sum3A_115 : vector<4096xi32> to vector<1x4096xi32>
    %add3A_117 = arith.addi %add3A_93, %broadcast_in_dim3A_116 : vector<1x4096xi32>
    %get3A_118 = arith.constant 0 : index
    %get3A_119 = arith.constant 2560 : index
    %get3A_120 = arith.constant 0 : index
    %get3A_121 = vector.load %arg1[%get3A_118, %get3A_119, %get3A_120] : memref<1x4096x1xf32, #tpu.memory_space<vmem>>, vector<1x512x1xf32>
    %get3A_122 = vector.shape_cast %get3A_121 : vector<1x512x1xf32> to vector<512x1xf32>
    %iota3A_123 = tpu.iota {dimensions = array<i32: 0>} : vector<512x4096xi32>
    %add3A_124 = arith.constant 2560 : i32
    %add3A_125 = vector.broadcast %add3A_124 : i32 to vector<512x4096xi32>
    %add3A_126 = arith.addi %add3A_125, %iota3A_123 : vector<512x4096xi32>
    %gt3A_127 = vector.broadcast %get3A_122 : vector<512x1xf32> to vector<512x4096xf32>
    %gt3A_128 = vector.broadcast %get3A_3 : vector<1x4096xf32> to vector<512x4096xf32>
    %gt3A_129 = arith.cmpf ogt, %gt3A_127, %gt3A_128 : vector<512x4096xf32>
    %convert_element_type3A_130 = arith.extui %gt3A_129 : vector<512x4096xi1> to vector<512x4096xi32>
    %eq3A_131 = vector.broadcast %get3A_122 : vector<512x1xf32> to vector<512x4096xf32>
    %eq3A_132 = vector.broadcast %get3A_3 : vector<1x4096xf32> to vector<512x4096xf32>
    %eq3A_133 = arith.cmpf oeq, %eq3A_131, %eq3A_132 : vector<512x4096xf32>
    %lt3A_134 = arith.cmpi slt, %add3A_126, %iota3A : vector<512x4096xi32>
    %and3A_135 = arith.andi %eq3A_133, %lt3A_134 : vector<512x4096xi1>
    %convert_element_type3A_136 = arith.extui %and3A_135 : vector<512x4096xi1> to vector<512x4096xi32>
    %add3A_137 = arith.addi %convert_element_type3A_130, %convert_element_type3A_136 : vector<512x4096xi32>
    %reduce_sum3A_138 = arith.constant dense<0> : vector<4096xi32>
    %reduce_sum3A_139 = vector.multi_reduction <add>, %add3A_137, %reduce_sum3A_138 [0] : vector<512x4096xi32> to vector<4096xi32>
    %broadcast_in_dim3A_140 = vector.shape_cast %reduce_sum3A_139 : vector<4096xi32> to vector<1x4096xi32>
    %add3A_141 = arith.addi %add3A_117, %broadcast_in_dim3A_140 : vector<1x4096xi32>
    %get3A_142 = arith.constant 0 : index
    %get3A_143 = arith.constant 3072 : index
    %get3A_144 = arith.constant 0 : index
    %get3A_145 = vector.load %arg1[%get3A_142, %get3A_143, %get3A_144] : memref<1x4096x1xf32, #tpu.memory_space<vmem>>, vector<1x512x1xf32>
    %get3A_146 = vector.shape_cast %get3A_145 : vector<1x512x1xf32> to vector<512x1xf32>
    %iota3A_147 = tpu.iota {dimensions = array<i32: 0>} : vector<512x4096xi32>
    %add3A_148 = arith.constant 3072 : i32
    %add3A_149 = vector.broadcast %add3A_148 : i32 to vector<512x4096xi32>
    %add3A_150 = arith.addi %add3A_149, %iota3A_147 : vector<512x4096xi32>
    %gt3A_151 = vector.broadcast %get3A_146 : vector<512x1xf32> to vector<512x4096xf32>
    %gt3A_152 = vector.broadcast %get3A_3 : vector<1x4096xf32> to vector<512x4096xf32>
    %gt3A_153 = arith.cmpf ogt, %gt3A_151, %gt3A_152 : vector<512x4096xf32>
    %convert_element_type3A_154 = arith.extui %gt3A_153 : vector<512x4096xi1> to vector<512x4096xi32>
    %eq3A_155 = vector.broadcast %get3A_146 : vector<512x1xf32> to vector<512x4096xf32>
    %eq3A_156 = vector.broadcast %get3A_3 : vector<1x4096xf32> to vector<512x4096xf32>
    %eq3A_157 = arith.cmpf oeq, %eq3A_155, %eq3A_156 : vector<512x4096xf32>
    %lt3A_158 = arith.cmpi slt, %add3A_150, %iota3A : vector<512x4096xi32>
    %and3A_159 = arith.andi %eq3A_157, %lt3A_158 : vector<512x4096xi1>
    %convert_element_type3A_160 = arith.extui %and3A_159 : vector<512x4096xi1> to vector<512x4096xi32>
    %add3A_161 = arith.addi %convert_element_type3A_154, %convert_element_type3A_160 : vector<512x4096xi32>
    %reduce_sum3A_162 = arith.constant dense<0> : vector<4096xi32>
    %reduce_sum3A_163 = vector.multi_reduction <add>, %add3A_161, %reduce_sum3A_162 [0] : vector<512x4096xi32> to vector<4096xi32>
    %broadcast_in_dim3A_164 = vector.shape_cast %reduce_sum3A_163 : vector<4096xi32> to vector<1x4096xi32>
    %add3A_165 = arith.addi %add3A_141, %broadcast_in_dim3A_164 : vector<1x4096xi32>
    %get3A_166 = arith.constant 0 : index
    %get3A_167 = arith.constant 3584 : index
    %get3A_168 = arith.constant 0 : index
    %get3A_169 = vector.load %arg1[%get3A_166, %get3A_167, %get3A_168] : memref<1x4096x1xf32, #tpu.memory_space<vmem>>, vector<1x512x1xf32>
    %get3A_170 = vector.shape_cast %get3A_169 : vector<1x512x1xf32> to vector<512x1xf32>
    %iota3A_171 = tpu.iota {dimensions = array<i32: 0>} : vector<512x4096xi32>
    %add3A_172 = arith.constant 3584 : i32
    %add3A_173 = vector.broadcast %add3A_172 : i32 to vector<512x4096xi32>
    %add3A_174 = arith.addi %add3A_173, %iota3A_171 : vector<512x4096xi32>
    %gt3A_175 = vector.broadcast %get3A_170 : vector<512x1xf32> to vector<512x4096xf32>
    %gt3A_176 = vector.broadcast %get3A_3 : vector<1x4096xf32> to vector<512x4096xf32>
    %gt3A_177 = arith.cmpf ogt, %gt3A_175, %gt3A_176 : vector<512x4096xf32>
    %convert_element_type3A_178 = arith.extui %gt3A_177 : vector<512x4096xi1> to vector<512x4096xi32>
    %eq3A_179 = vector.broadcast %get3A_170 : vector<512x1xf32> to vector<512x4096xf32>
    %eq3A_180 = vector.broadcast %get3A_3 : vector<1x4096xf32> to vector<512x4096xf32>
    %eq3A_181 = arith.cmpf oeq, %eq3A_179, %eq3A_180 : vector<512x4096xf32>
    %lt3A_182 = arith.cmpi slt, %add3A_174, %iota3A : vector<512x4096xi32>
    %and3A_183 = arith.andi %eq3A_181, %lt3A_182 : vector<512x4096xi1>
    %convert_element_type3A_184 = arith.extui %and3A_183 : vector<512x4096xi1> to vector<512x4096xi32>
    %add3A_185 = arith.addi %convert_element_type3A_178, %convert_element_type3A_184 : vector<512x4096xi32>
    %reduce_sum3A_186 = arith.constant dense<0> : vector<4096xi32>
    %reduce_sum3A_187 = vector.multi_reduction <add>, %add3A_185, %reduce_sum3A_186 [0] : vector<512x4096xi32> to vector<4096xi32>
    %broadcast_in_dim3A_188 = vector.shape_cast %reduce_sum3A_187 : vector<4096xi32> to vector<1x4096xi32>
    %add3A_189 = arith.addi %add3A_165, %broadcast_in_dim3A_188 : vector<1x4096xi32>
    %iota3A_190 = tpu.iota {dimensions = array<i32: 0>} : vector<832x4096xi32>
    %eq3A_191 = vector.broadcast %add3A_189 : vector<1x4096xi32> to vector<832x4096xi32>
    %eq3A_192 = arith.cmpi eq, %iota3A_190, %eq3A_191 : vector<832x4096xi32>
    %convert_element_type3A_193 = arith.extui %eq3A_192 : vector<832x4096xi1> to vector<832x4096xi32>
    %convert_element_type3A_194 = arith.sitofp %convert_element_type3A_193 : vector<832x4096xi32> to vector<832x4096xf32>
    %iota3A_195 = tpu.iota {dimensions = array<i32: 0>} : vector<4096x1xi32>
    %convert_element_type3A_196 = arith.sitofp %iota3A_195 : vector<4096x1xi32> to vector<4096x1xf32>
    %dot_general3A = arith.constant dense<0.000000e+00> : vector<832x1xf32>
    %dot_general3A_197 = tpu.matmul %convert_element_type3A_194, %convert_element_type3A_196, %dot_general3A {dimension_numbers = #tpu.dot_dimension_numbers<[1], [0], [0], [1], [0, 0, 1, 1], [], []>, precision = #tpu.contract_precision<fp32>, transpose_lhs_hint = false} : vector<832x4096xf32>, vector<4096x1xf32>, vector<832x1xf32> -> vector<832x1xf32>
    %swap3A = arith.constant 0 : index
    %swap3A_198 = arith.constant 0 : index
    %swap3A_199 = arith.constant 0 : index
    %swap3A_200 = vector.load %arg3[%swap3A, %swap3A_198, %swap3A_199] : memref<1x832x1xf32, #tpu.memory_space<vmem>>, vector<1x832x1xf32>
    %swap3A_201 = vector.shape_cast %swap3A_200 : vector<1x832x1xf32> to vector<832x1xf32>
    %swap3A_202 = vector.shape_cast %dot_general3A_197 : vector<832x1xf32> to vector<1x832x1xf32>
    tpu.vector_store %arg3[%swap3A, %swap3A_198, %swap3A_199], %swap3A_202 {strides = array<i32>} : memref<1x832x1xf32, #tpu.memory_space<vmem>>, vector<1x832x1xf32>,
    return
  }
  func.func @transform_0(%arg0: i32) -> (i32, i32, i32) {
    %c0_i32 = arith.constant 0 : i32
    %c0_i32_0 = arith.constant 0 : i32
    %c0_i32_1 = arith.constant 0 : i32
    return %arg0, %c0_i32, %c0_i32_0 : i32, i32, i32
  }
  func.func @transform_1(%arg0: i32) -> (i32, i32, i32) {
    %c0_i32 = arith.constant 0 : i32
    %c0_i32_0 = arith.constant 0 : i32
    %c0_i32_1 = arith.constant 0 : i32
    return %arg0, %c0_i32, %c0_i32_0 : i32, i32, i32
  }
  func.func @transform_2(%arg0: i32) -> (i32, i32, i32) {
    %c0_i32 = arith.constant 0 : i32
    %c0_i32_0 = arith.constant 0 : i32
    %c0_i32_1 = arith.constant 0 : i32
    return %arg0, %c0_i32, %c0_i32_0 : i32, i32, i32
  }
}

</mosaic_0001>

<sc_bundles>
// kernel: kernel.5.cloned.1.call-start
scs
__scs_entry_jumppad:
0x0: {  	(pc) =	sbr.rel $0x88, $3  }
0x1: {  	(tag) =	ssettag $0x0;
	lr =	simm.s32 $0x1  }
0x2: {  	[smem:$0x3F9F] =	sst lr;
	_ =	strace $0xD0000000  }
0x3: {  	_ = 	snop  }
0x4: {  	_ = 	snop  }
0x5: {  	_ = 	snop  }
0x6: {  	_ = 	snop  }
0x7: {  	_ = 	snop  }
__scs_overlays_trampoline_lowered:
0x8: {  	[smem:$0x3FAE] =	sst s0  }
0x9: {  	[smem:$0x3FAF] =	sst s1  }
0xa: {  	[smem:$0x3FB0] =	sst s2  }
0xb: {  	[smem:$0x3FB1] =	sst s3  }
0xc: {  	[smem:$0x3FB2] =	sst s4  }
0xd: {  	[smem:$0x3FB3] =	sst s5  }
0xe: {  	[smem:$0x3FB4] =	sst s6  }
0xf: {  	[smem:$0x3FB5] =	sst s7  }
0x10: {  	[smem:$0x3FB6] =	sst s8  }
0x11: {  	[smem:$0x3FB7] =	sst s9;
	s0 =	simm.s32 @!p0 $0x0  }
0x12: {  	s1 =	sld [smem:$0x3F9D];
	s0 =	simm.s32 @p0 $0x1  }
0x13: {  	[smem:$0x3FB8] =	sst s0;
	s0 =	simm.s32 @!p1 $0x0  }
0x14: {  	s2 =	sld [smem:$0x3F9C];
	s0 =	simm.s32 @p1 $0x1  }
0x15: {  	[smem:$0x3FB9] =	sst s0;
	s0 =	simm.s32 @!p2 $0x0  }
0x16: {  	s3 =	sld [smem:$0x3FDB];
	s0 =	simm.s32 @p2 $0x1  }
0x17: {  	s4 =	simm.s32 $0x1BF5;
	[smem:$0x3FBB] =	sst s0  }
0x18: {  	s0 =	sld [smem:$0x3F9E];
	_ =	swait.ge [sflag:s4], $0x0  }
0x19: {  	s7 =	sld [smem:$0x3F9F]  }
0x1a: {  	s8 =	sadd.s32 $0xFFFFE003, lr  }
0x1b: {  	s9 =	sadd.s32 $0xFFFFFEF7, lr;
	s5 =	simm.s32 $0xFFFFFFFF;
	p2 =	slt.u32 s8, $0xFFFFF086  }
0x1c: {  	p1 =	slt.u32 s9, $0xF7A;
	s5 =	simm.s32 @!p2 $0x0  }
0x1d: {  	s5 =	simm.s32 @p1 $0x1;
	p0 =	seq.s32 s7, s2  }
0x1e: {  	s7 =	smul.u32 @!p0 $0xF7A, s2;
	p2 =	seq.s32 @!p0 s5, $0x0  }
0x1f: {  	s9 =	smul.u32 $0xF7A, s1;
	s8 =	simm.s32 @!p0 $0x1BF5;
	p2 =	por !p2, p0  }
0x20: {  	[sflag:s8] =	ssyncset.s32 @!p0 $0xFFFFF086;
	s6 =	sadd.s32 @!p0 s3, s7;
	s7 =	simm.s32 @!p0 $0x108  }
0x21: {  	s3 =	sadd.s32 s3, s9;
	s6 =	sadd.s32 @!p0 $0x88, s6;
	s7 =	simm.s32 @p2 $0x1082  }
0x22: {  	[simem:s7], [sflag:s8] =	dma.local @!p0 [hbm:s6], $0xF7A  }
0x23: {  	s9 =	sor.u32 $0xD0000000, s2;
	s6 =	simm.s32 $0x108;
	_ =	swait.ge @!p0 [sflag:s8], $0x0  }
0x24: {  	s3 =	sadd.s32 $0x88, s3;
	s6 =	simm.s32 @!p1 $0x1082;
	[sflag:s4] =	ssyncset.s32 $0xFFFFF086  }
0x25: {  	[simem:s6], [sflag:s4] =	dma.local [hbm:s3], $0xF7A  }
0x26: {  	[smem:$0x3F9F] =	sst s1;
	(tag) =	ssettag s2;
	_ =	strace s9  }
0x27: {  	s1 =	sld [smem:$0x3FAF]  }
0x28: {  	s2 =	sld [smem:$0x3FB0]  }
0x29: {  	s4 =	sld [smem:$0x3FB2]  }
0x2a: {  	p0 =	seq.s32 s5, $0x0;
	s5 =	sld [smem:$0x3FB3]  }
0x2b: {  	s6 =	sld [smem:$0x3FB4]  }
0x2c: {  	s7 =	sld [smem:$0x3FB5]  }
0x2d: {  	s3 =	simm.s32 $0x108;
	s8 =	sld [smem:$0x3FB6]  }
0x2e: {  	s3 =	simm.s32 @!p0 $0x1082;
	s9 =	sld [smem:$0x3FB7]  }
0x2f: {  	lr =	sadd.s32 s0, s3;
	s0 =	sld [smem:$0x3FAE]  }
0x30: {  	s3 =	sld [smem:$0x3FB1]  }
0x31: {  	[smem:$0x3FBA] =	sst s10  }
0x32: {  	s10 =	sld [smem:$0x3FB8];
	_ =	sdelay $0x3  }
0x33: {  	p0 =	seq.s32 s10, $0x1;
	s10 =	sld [smem:$0x3FBA];
	_ =	sdelay $0x3  }
0x34: {  	[smem:$0x3FBA] =	sst s10  }
0x35: {  	s10 =	sld [smem:$0x3FB9];
	_ =	sdelay $0x3  }
0x36: {  	p1 =	seq.s32 s10, $0x1;
	s10 =	sld [smem:$0x3FBA];
	_ =	sdelay $0x3  }
0x37: {  	[smem:$0x3FBA] =	sst s10  }
0x38: {  	s10 =	sld [smem:$0x3FBB]  }
0x39: {  	_ = 	snop;
	(pc) =	sbr.ind lr, $3  }
0x3a: {  	_ = 	snop  }
0x3b: {  	_ = 	snop  }
0x3c: {  	p2 =	seq.s32 s10, $0x1;
	s10 =	sld [smem:$0x3FBA]  }
0x3d: {  	_ =	shalt  }
0x3e: {  	_ =	shalt  }
0x3f: {  	_ =	shalt  }
0x40: {  	_ =	shalt  }
0x41: {  	_ =	shalt  }
0x42: {  	_ =	shalt  }
0x43: {  	_ =	shalt  }
0x44: {  	_ =	shalt  }
0x45: {  	_ =	shalt  }
0x46: {  	_ =	shalt  }
0x47: {  	_ =	shalt  }
0x48: {  	_ =	shalt  }
0x49: {  	_ =	shalt  }
0x4a: {  	_ =	shalt  }
0x4b: {  	_ =	shalt  }
0x4c: {  	_ =	shalt  }
0x4d: {  	_ =	shalt  }
0x4e: {  	_ =	shalt  }
0x4f: {  	_ =	shalt  }
0x50: {  	_ =	shalt  }
0x51: {  	_ =	shalt  }
0x52: {  	_ =	shalt  }
0x53: {  	_ =	shalt  }
0x54: {  	_ =	shalt  }
0x55: {  	_ =	shalt  }
0x56: {  	_ =	shalt  }
0x57: {  	_ =	shalt  }
0x58: {  	_ =	shalt  }
0x59: {  	_ =	shalt  }
0x5a: {  	_ =	shalt  }
0x5b: {  	_ =	shalt  }
0x5c: {  	_ =	shalt  }
0x5d: {  	_ =	shalt  }
0x5e: {  	_ =	shalt  }
0x5f: {  	_ =	shalt  }
0x60: {  	_ =	shalt  }
0x61: {  	_ =	shalt  }
0x62: {  	_ =	shalt  }
0x63: {  	_ =	shalt  }
0x64: {  	_ =	shalt  }
0x65: {  	_ =	shalt  }
0x66: {  	_ =	shalt  }
0x67: {  	_ =	shalt  }
0x68: {  	_ =	shalt  }
0x69: {  	_ =	shalt  }
0x6a: {  	_ =	shalt  }
0x6b: {  	_ =	shalt  }
0x6c: {  	_ =	shalt  }
0x6d: {  	_ =	shalt  }
0x6e: {  	_ =	shalt  }
0x6f: {  	_ =	shalt  }
0x70: {  	_ =	shalt  }
0x71: {  	_ =	shalt  }
0x72: {  	_ =	shalt  }
0x73: {  	_ =	shalt  }
0x74: {  	_ =	shalt  }
0x75: {  	_ =	shalt  }
0x76: {  	_ =	shalt  }
0x77: {  	_ =	shalt  }
0x78: {  	_ =	shalt  }
0x79: {  	_ =	shalt  }
0x7a: {  	_ =	shalt  }
0x7b: {  	_ =	shalt  }
0x7c: {  	_ =	shalt  }
0x7d: {  	_ =	shalt  }
0x7e: {  	_ =	shalt  }
0x7f: {  	_ =	shalt  }
0x80: {  	_ =	shalt  }
0x81: {  	_ =	shalt  }
0x82: {  	_ =	shalt  }
0x83: {  	_ =	shalt  }
0x84: {  	_ =	shalt  }
0x85: {  	_ =	shalt  }
0x86: {  	_ =	shalt  }
0x87: {  	_ =	shalt  }
.Lfunc_end0:
.L_simem_size_0:
called_computation_lowered:
.L_overlay_start_0:
0x88: {  	s2 =	sld [smem:$0x3FD9]  }
0x89: {  	s3 =	sld [smem:$0x3FFE];
	_ =	sdelay $0x1  }
0x8a: {  	s1 =	srdreg.scid  }
0x8b: {  	s0 =	sand.u32 $0x1, s1  }
0x8c: {  	s14 =	sshll.u32 s0, $0xA;
	s2 =	sadd.s32 s3, s2  }
0x8d: {  	s2 =	sadd.s32 s2, s14  }
0x8e: {  	[smem:$0x3FC6] =	sst s2  }
0x8f: {  	_ = 	snop  }
0x90: {  	s2 =	sld [smem:$0x3FD0];
	_ =	sdelay $0x2  }
0x91: {  	s15 =	simm.s32 $0xA;
	s4 =	simm.s32 $0x10  }
0x92: {  	[smem:s4], [sflag:s15] =	dma.local [hbm:s2], $0x1  }
0x93: {  	_ =	swait.eq [sflag:s15], $0x1  }
0x94: {  	[sflag:s15] =	ssyncset.done $0x0  }
0x95: {  	[sflag:s15] =	ssyncadd.s32 $0xFFFFFFFF  }
0x96: {  	s16 =	sld [smem:$0x11];
	(tm) =	ssettm $0x1  }
0x97: {  	s17 =	sld [smem:$0x3FFB];
	_ =	sdelay $0x3  }
0x98: {  	_ =	strace s17  }
0x99: {  	s3 =	sld [smem:$0x3FFC];
	_ =	sdelay $0x3  }
0x9a: {  	_ =	strace s3  }
0x9b: {  	s3 =	sld [smem:$0x3FFD];
	_ =	sdelay $0x3  }
0x9c: {  	_ =	strace s3  }
0x9d: {  	_ =	strace $0x8FFFFFFF  }
0x9e: {  	s18 =	sld [smem:$0x3FDB];
	_ =	sdelay $0x1  }
0x9f: {  	s19 =	simm.s32 $_scs_section_size  }
0xa0: {  	s5 =	simm.s32 $_size__tile_overlayer_lowered;
	s6 =	simm.s32 $_tile_overlayer_lowered  }
0xa1: {  	s22 =	simm.s32 $0x1BFF;
	s21 =	sshll.u32 s6, $0x1;
	s3 =	sadd.s32 s19, s18  }
0xa2: {  	s7 =	simm.s32 $0x0;
	s20 =	sshll.u32 s5, $0x1;
	s5 =	sadd.s32 s21, s3  }
0xa3: {  	[timem:s7], [sflag:s22] =	dma.local [hbm:s5], s20  }
0xa4: {  	_ =	swait.ge [sflag:s22], s20  }
0xa5: {  	s4 =	ssub.s32 $0x0, s20;
	[sflag:s22] =	ssyncset.done $0x0  }
0xa6: {  	[sflag:s22] =	ssyncadd.s32 s4;
	_ =	sdelay $0x1  }
0xa7: {  	s23 =	simm.s32 $0x1B8B  }
0xa8: {  	_ =	swait.ge [sflag:s23], $0x1  }
0xa9: {  	[sflag:s23] =	ssyncset.done $0x0  }
0xaa: {  	s25 =	simm.s32 $0x1B8E;
	s24 =	sld [smem:$0x3FFE];
	[sflag:s23] =	ssyncadd.s32 $0xFFFFFFFF  }
0xab: {  	s26 =	simm.s32 $execute0_lowered;
	[smem:$0x3FD2] =	sst s25  }
0xac: {  	s5 =	sshll.u32 s26, $0x1;
	_ =	strace $0x80000046;
	[dreg:$0x1] =	wrdreg $0xFFFFFFFF  }
0xad: {  	s28 =	simm.s32 $_size_execute0_lowered;
	s3 =	sadd.s32 s3, s5;
	[dreg:$0x0] =	wrdreg $0x0  }
0xae: {  	s5 =	sshll.u32 s28, $0x1;
	[dreg:$0x2] =	wrdreg s3  }
0xaf: {  	[dreg:$0x3] =	wrdreg s5  }
0xb0: {  	[dreg:$0x4] =	wrdreg $0xC0  }
0xb1: {  	_ =	task [dreg:s7], $0x5FFFF  }
0xb2: {  	[dreg:$0x1] =	wrdreg $0xFFFFFFFF  }
0xb3: {  	[dreg:$0x0] =	wrdreg $0x60  }
0xb4: {  	[dreg:$0x2] =	wrdreg s24  }
0xb5: {  	[dreg:$0x3] =	wrdreg s16  }
0xb6: {  	[dreg:$0x4] =	wrdreg $0x9  }
0xb7: {  	_ =	task.clear_ibuf [dreg:s7], $0x5FFFF;
	_ =	strace $0x90000046  }
0xb8: {  	s29 =	simm.s32 $0x9;
	_ =	strace $0x80000048  }
0xb9: {  	_ =	swait.ge [sflag:s29], $0x1  }
0xba: {  	[sflag:s29] =	ssyncadd.s32 $0xFFFFFFFF  }
0xbb: {  	_ =	strace $0x90000048  }
0xbc: {  	_ =	sfence  }
0xbd: {  	s30 =	sld [smem:$0x0];
	_ =	sdelay $0x2  }
0xbe: {  	s31 =	sshll.u32 s1, $0xD;
	s1 =	sshrl.u32 s1, $0x2  }
0xbf: {  	s3 =	sand.u32 $0x4000, s31;
	s1 =	sadd.s32 s1, s30  }
0xc0: {  	s0 =	sor.u32 s3, s0;
	s1 =	sshll.u32 s1, $0x11  }
0xc1: {  	s0 =	sor.u32 s1, s0  }
0xc2: {  	s0 =	sadd.s32 $0x8F2B, s0  }
0xc3: {  	[sflag:s0] =	ssyncadd.remote.s32 $0x1  }
0xc4: {  	_ =	sfence.sel $0xFFFF  }
0xc5: {  	[dreg:$0x0] =	wrdreg $0xFFFFFFFF;
	(pc) =	sbr.abs _section_cstart, $3  }
0xc6: {  	[dreg:$0x1] =	wrdreg $0xFFFFFFFF  }
0xc7: {  	_ =	task.clear_ibuf [dreg:s7], $0x2FFFF;
	_ =	strace $0x9FFFFFFF  }
0xc8: {  	(tm) =	ssettm $0x7FFFFFFF  }
0xc9: {  	_ =	shalt  }
tec
execute0_lowered:
.L_overlay_start_1:
0x0: {  	(tag) =	ssettag $0x1  }
0x1: {  	s1 =	srdreg.scid;
	s0 =	stileid.u32  }
0x2: {  	s2 =	rddreg [dreg:$0x0];
	s6 =	sand.u32 $0x1, s1;
	s31 =	sshll.u32 s0, $0x1  }
0x3: {  	s4 =	rddreg [dreg:$0x1];
	s3 =	simm.s32 $0x0;
	s7 =	sor.u32 s6, s31  }
0x4: {  	[smem:$0x7FF] =	sst s3;
	s5 =	smul.u32 $0xD, s7  }
0x5: {  	s8 =	simm.s32 $0x1;
	s1 =	rddreg [dreg:$0x2];
	_ =	strace $0x80000047  }
0x6: {  	s10 =	ssub.s32 $0x2, s6;
	s5 =	sadd.s32 s4, s5;
	s4 =	simm.s32 $0x2  }
0x7: {  	[tilespmem:s3], [sflag:$0x2] =	stream.linear.gather [hbm4b:s5+s3], $0x68, $0x38;
	[tilespmem:$0x3480] =	vst v63  }
0x8: {  	s6 =	simm.s32 $0x68;
	s11 =	sshrl.u32 s10, $0x1;
	_ =	swait.ge [sflag:s4], $0x68  }
0x9: {  	s9 =	smul.u32 $0x680, s7;
	s10 =	ssub.s32 s10, s11;
	[sflag:s4] =	ssyncset.done $0x0  }
0xa: {  	s7 =	simm.s32 $0x80;
	s10 =	smax.u32 s10, $0x1;
	[sflag:s4] =	ssyncadd.s32 $0xFFFFFF98  }
0xb: {  	[tilespmem:s7], [sflag:$0x1] =	stream.indirect.gather [hbm4b:s2+s6], $0x80, s3, s6, $0xb8;
	[tilespmem:$0x3480] =	vst v63  }
0xc: {  	p0 =	sne.s32 s10, $0x1;
	_ =	swait.ge [sflag:s8], $0x3400  }
.Ltmp0:
0xd: {  	s9 =	sadd.s32 s9, s2;
	[sflag:s8] =	ssyncset.done $0x0;
	(pc) =	sbr.rel @!p0 .LBB2_2-.Ltmp0, $4  }
0xe: {  	s9 =	sadd.s32 $0x40000, s9;
	[sflag:s8] =	ssyncadd.s32 $0xFFFFCC00  }
0xf: {  	[hbm4b:s9+s3] =	stream.linear.scatter [tilespmem:s7], [sflag:$0x2], $0x3400, $0x38;
	[tilespmem:$0x3480] =	vst v63  }
0x10: {  	_ =	swait.ge [sflag:s4], $0x3400  }
0x11: {  	s10 =	sadd.s32 $0xFFFFFFFF, s10;
	[sflag:s4] =	ssyncset.done $0x0  }
.LBB2_1:
0x12: {  	p0 =	sne.s32 s10, $0x1;
	s10 =	sadd.s32 $0xFFFFFFFF, s10;
	[sflag:s4] =	ssyncadd.s32 $0xFFFFCC00  }
0x13: {  	[tilespmem:s3], [sflag:$0x2] =	stream.linear.gather [hbm4b:s5+s3], $0x68, $0x38;
	[tilespmem:$0x3480] =	vst v63  }
0x14: {  	_ =	swait.ge [sflag:s4], $0x68  }
0x15: {  	[sflag:s4] =	ssyncset.done $0x0  }
0x16: {  	[sflag:s4] =	ssyncadd.s32 $0xFFFFFF98  }
0x17: {  	[tilespmem:s7], [sflag:$0x1] =	stream.indirect.gather [hbm4b:s2+s6], $0x80, s3, s6, $0xb8;
	[tilespmem:$0x3480] =	vst v63  }
0x18: {  	_ =	swait.ge [sflag:s8], $0x3400  }
.Ltmp1:
0x19: {  	[sflag:s8] =	ssyncset.done $0x0;
	(pc) =	sbr.rel @p0 .LBB2_1-.Ltmp1, $4  }
0x1a: {  	[sflag:s8] =	ssyncadd.s32 $0xFFFFCC00  }
0x1b: {  	[hbm4b:s9+s3] =	stream.linear.scatter [tilespmem:s7], [sflag:$0x2], $0x3400, $0x38;
	[tilespmem:$0x3480] =	vst v63  }
0x1c: {  	_ =	swait.ge [sflag:s4], $0x3400  }
0x1d: {  	[sflag:s4] =	ssyncset.done $0x0  }
.LBB2_2:
0x1e: {  	[sflag:s4] =	ssyncadd.s32 $0xFFFFCC00  }
0x1f: {  	_ =	sfence.sel $0x180000  }
0x20: {  	[bflag:$0x0] =	sbarrier.arrive $0xFFFF  }
0x21: {  	p0 =	sne.s32 s0, $0x0;
	_ =	strace $0x90000047  }
0x22: {  	s0 =	sadd.s32 @!p0 $0x100000, s1;
	[bflag:$0x2] =	sbarrier.arrive $0xFFFF  }
0x23: {  	[sflag:s0] =	ssyncadd.tile.s32 @!p0 $0x1;
	_ =	shalt  }
.Lfunc_end2:
_tile_overlayer_lowered:
.L_overlay_start_2:
0x24: {  	(tag) =	ssettag $0x2  }
0x25: {  	s0 =	rddreg [dreg:$0x0];
	s2 =	stileid.u32  }
0x26: {  	s1 =	rddreg [dreg:$0x1];
	p0 =	sne.s32 s2, $0x0  }
0x27: {  	s3 =	rddreg [dreg:$0x2];
	[bflag:$0x3] =	sbarrier.arrive $0xFFFF;
	s2 =	simm.s32 @!p0 $0x1C02  }
0x28: {  	[timem:s3], [sflag:s2] =	dma.local @!p0 [hbm:s0], s1  }
0x29: {  	s0 =	simm.s32 @!p0 $0x2  }
0x2a: {  	_ =	swait.ge @!p0 [sflag:s0], s1  }
0x2b: {  	s1 =	ssub.s32 @!p0 $0x0, s1;
	[sflag:s0] =	ssyncset.done @!p0 $0x0  }
0x2c: {  	[sflag:s0] =	ssyncadd.s32 @!p0 s1  }
0x2d: {  	[bflag:$0x3] =	sbarrier.arrive $0xFFFF  }
0x2e: {  	_ =	shalt  }

</sc_bundles>
